<compile_context>
chip_gen: v7x
topology: tpu7x:2x2x1
jax: 0.10.2.dev20260603
libtpu: 0.0.44.dev20260713+nightly
codegen_flags: <defaults>
</compile_context>

<pallas_src>
import jax
import jax.numpy as jnp
from jax.experimental import pallas as pl
from jax.experimental.pallas import tpu as pltpu

_H = 24
_W = 8
_HW = _H * _W
_NS = 4
_ROWS = 2048 * _HW // 384


def _mask_for(colsum, keep_n):
    e = colsum[:, :_HW] + colsum[:, _HW:]
    lane = jax.lax.broadcasted_iota(jnp.int32, (_H, _HW), 1)
    rowi = jax.lax.broadcasted_iota(jnp.int32, (_H, _HW), 0)
    lrow = lane // _W
    cond = lrow == rowi
    g = jnp.where(cond, jnp.broadcast_to(e, (_H, _HW)), -1.0)
    rm_col = jnp.max(g, axis=1, keepdims=True)
    rmb = jnp.sum(jnp.where(cond, jnp.broadcast_to(rm_col, (_H, _HW)), 0.0),
                  axis=0, keepdims=True)
    less = rmb < rm_col
    eq_lower = (rmb == rm_col) & (lrow < rowi)
    cnt = jnp.sum(less.astype(jnp.float32) + eq_lower.astype(jnp.float32),
                  axis=1, keepdims=True)
    rank = cnt * (1.0 / _W)
    keep = (rank < keep_n).astype(jnp.float32)
    mask = jnp.sum(jnp.where(cond, jnp.broadcast_to(keep, (_H, _HW)), 0.0),
                   axis=0, keepdims=True)
    return jnp.concatenate([mask, mask], axis=1)


def _body(keep_n, x_ref, o_ref):
    for s in range(_NS):
        xs = x_ref[0, s * _ROWS:(s + 1) * _ROWS]
        colsum = jnp.sum(xs * xs, axis=0, keepdims=True)
        mask2 = _mask_for(colsum, keep_n)
        o_ref[0, s * _ROWS:(s + 1) * _ROWS] = xs * mask2


def kernel(x):
    b, c, h, w = x.shape
    rh = int(round(0.33 * h))
    keep_n = h - rh
    groups = b // _NS
    rows = _NS * c * h * w // 384
    x3 = x.reshape(groups, rows, 384)
    out = pl.pallas_call(
        lambda x_ref, o_ref: _body(keep_n, x_ref, o_ref),
        grid=(groups,),
        in_specs=[pl.BlockSpec((1, rows, 384), lambda i: (i, 0, 0))],
        out_specs=pl.BlockSpec((1, rows, 384), lambda i: (i, 0, 0)),
        out_shape=jax.ShapeDtypeStruct((groups, rows, 384), x.dtype),
        compiler_params=pltpu.CompilerParams(
            dimension_semantics=("parallel",)),
    )(x3)
    return out.reshape(b, c, h, w)

# --- scband reference (transcript-rebuilt; emitter-appended) ---
"""Pipeline reference for scband-batch-drop-top-1211180778377 (READ-ONLY COPY).

The authoritative reference and input builder live on the scoring server;
editing this copy changes nothing except your own understanding.
"""

import jax, jax.numpy as jnp
import numpy as np

H_RATIO = 0.33

def setup_inputs(seed: int = 0) -> dict:
    key = jax.random.key(seed)
    x = jax.random.normal(key, (64, 2048, 24, 8), dtype=jnp.float32)
    return {"x": x}

def reference(x):
    # Faithful translation of BatchDropTop.forward in training mode (visdrop=False)
    b, c, h, w = x.shape
    rh = int(round(H_RATIO * h))
    # activation energy per spatial location
    act = (x ** 2).sum(axis=1)              # [b, h, w]
    act = act.reshape(b, h * w)
    # F.normalize(p=2, dim=1) with eps=1e-12
    norm = jnp.maximum(jnp.linalg.norm(act, axis=1, keepdims=True), 1e-12)
    act = act / norm
    act = act.reshape(b, h, w)
    max_act = act.max(axis=2)               # [b, h]
    ind = jnp.argsort(max_act, axis=1)      # ascending, like torch.argsort
    ind = ind[:, -rh:]                      # top-rh rows by max activation
    # build per-sample row mask: ones with dropped rows set to 0
    mask = jnp.ones((b, h), dtype=x.dtype)
    mask = mask.at[jnp.arange(b)[:, None], ind].set(0.0)
    # broadcast over channels and width (equivalent to repeat_interleave + view)
    mask4 = mask[:, None, :, None]          # [b, 1, h, 1] -> broadcast to [b, c, h, w]
    return x * mask4

if __name__ == "__main__":
    import jax
    _d = setup_inputs()
    print(jax.jit(kernel)(*tuple(_d.values())))

</pallas_src>

<mosaic_0001>
module attributes {stable_mosaic.version = 14 : i64} {
  func.func @_lambda_(%arg0: i32, %arg1: memref<1x4096x384xf32, #tpu.memory_space<vmem>>, %arg2: memref<1x4096x384xf32, #tpu.memory_space<vmem>>) attributes {dimension_semantics = [#tpu.dimension_semantics<parallel>], iteration_bounds = array<i64: 16>, scalar_prefetch = 0 : i64, scratch_operands = 0 : i64, tpu.core_type = #tpu.core_type<tc>, window_params = [{transform_indices = @transform_0, window_bounds = array<i64: 1, 4096, 384>}, {transform_indices = @transform_1, window_bounds = array<i64: 1, 4096, 384>}]} {
    %get3A = arith.constant 0 : index
    %get3A_0 = arith.constant 0 : index
    %get3A_1 = arith.constant 0 : index
    %get3A_2 = vector.load %arg1[%get3A, %get3A_0, %get3A_1] : memref<1x4096x384xf32, #tpu.memory_space<vmem>>, vector<1x1024x384xf32>
    %get3A_3 = vector.shape_cast %get3A_2 : vector<1x1024x384xf32> to vector<1024x384xf32>
    %mul3A = arith.mulf %get3A_3, %get3A_3 : vector<1024x384xf32>
    %reduce_sum3A = arith.constant dense<0.000000e+00> : vector<384xf32>
    %reduce_sum3A_4 = vector.multi_reduction <add>, %mul3A, %reduce_sum3A [0] : vector<1024x384xf32> to vector<384xf32>
    %broadcast_in_dim3A = vector.shape_cast %reduce_sum3A_4 : vector<384xf32> to vector<1x384xf32>
    %slice3A = vector.extract_strided_slice %broadcast_in_dim3A {offsets = [0, 0], sizes = [1, 192], strides = [1, 1]} : vector<1x384xf32> to vector<1x192xf32>
    %slice3A_5 = vector.extract_strided_slice %broadcast_in_dim3A {offsets = [0, 192], sizes = [1, 192], strides = [1, 1]} : vector<1x384xf32> to vector<1x192xf32>
    %add3A = arith.addf %slice3A, %slice3A_5 : vector<1x192xf32>
    %iota3A = tpu.iota {dimensions = array<i32: 1>} : vector<24x192xi32>
    %iota3A_6 = tpu.iota {dimensions = array<i32: 0>} : vector<24x192xi32>
    %jit3A = arith.constant 8 : i32
    %div3A = vector.broadcast %jit3A : i32 to vector<24x192xi32>
    %div3A_7 = arith.divsi %iota3A, %div3A : vector<24x192xi32>
    %sign3A = arith.constant 0 : i32
    %sign3A_8 = vector.broadcast %sign3A : i32 to vector<24x192xi32>
    %sign3A_9 = arith.cmpi sgt, %iota3A, %sign3A_8 : vector<24x192xi32>
    %sign3A_10 = arith.extui %sign3A_9 : vector<24x192xi1> to vector<24x192xi32>
    %sign3A_11 = arith.constant 0 : i32
    %sign3A_12 = vector.broadcast %sign3A_11 : i32 to vector<24x192xi32>
    %sign3A_13 = arith.cmpi slt, %iota3A, %sign3A_12 : vector<24x192xi32>
    %sign3A_14 = arith.extui %sign3A_13 : vector<24x192xi1> to vector<24x192xi32>
    %sign3A_15 = arith.subi %sign3A_10, %sign3A_14 : vector<24x192xi32>
    %sign3A_16 = arith.constant 0 : i32
    %sign3A_17 = arith.cmpi sgt, %jit3A, %sign3A_16 : i32
    %sign3A_18 = arith.extui %sign3A_17 : i1 to i32
    %sign3A_19 = arith.constant 0 : i32
    %sign3A_20 = arith.cmpi slt, %jit3A, %sign3A_19 : i32
    %sign3A_21 = arith.extui %sign3A_20 : i1 to i32
    %sign3A_22 = arith.subi %sign3A_18, %sign3A_21 : i32
    %ne3A = vector.broadcast %sign3A_22 : i32 to vector<24x192xi32>
    %ne3A_23 = arith.cmpi ne, %sign3A_15, %ne3A : vector<24x192xi32>
    %rem3A = vector.broadcast %jit3A : i32 to vector<24x192xi32>
    %rem3A_24 = arith.remsi %iota3A, %rem3A : vector<24x192xi32>
    %ne3A_25 = arith.constant 0 : i32
    %ne3A_26 = vector.broadcast %ne3A_25 : i32 to vector<24x192xi32>
    %ne3A_27 = arith.cmpi ne, %rem3A_24, %ne3A_26 : vector<24x192xi32>
    %and3A = arith.andi %ne3A_23, %ne3A_27 : vector<24x192xi1>
    %sub3A = arith.constant 1 : i32
    %sub3A_28 = vector.broadcast %sub3A : i32 to vector<24x192xi32>
    %sub3A_29 = arith.subi %div3A_7, %sub3A_28 : vector<24x192xi32>
    %select_n3A = arith.select %and3A, %sub3A_29, %div3A_7 : vector<24x192xi1>, vector<24x192xi32>
    %eq3A = arith.cmpi eq, %select_n3A, %iota3A_6 : vector<24x192xi32>
    %broadcast_in_dim3A_30 = vector.shape_cast %add3A : vector<1x192xf32> to vector<1x192xf32>
    %broadcast_in_dim3A_31 = vector.broadcast %broadcast_in_dim3A_30 : vector<1x192xf32> to vector<24x192xf32>
    %jit3A_32 = arith.constant -1.000000e+00 : f32
    %broadcast_in_dim3A_33 = vector.broadcast %jit3A_32 : f32 to vector<24x192xf32>
    %select_n3A_34 = arith.select %eq3A, %broadcast_in_dim3A_31, %broadcast_in_dim3A_33 : vector<24x192xi1>, vector<24x192xf32>
    %reduce_max3A = arith.constant dense<0xFF800000> : vector<24xf32>
    %reduce_max3A_35 = vector.multi_reduction <maximumf>, %select_n3A_34, %reduce_max3A [1] : vector<24x192xf32> to vector<24xf32>
    %broadcast_in_dim3A_36 = vector.shape_cast %reduce_max3A_35 : vector<24xf32> to vector<24x1xf32>
    %broadcast_in_dim3A_37 = vector.shape_cast %broadcast_in_dim3A_36 : vector<24x1xf32> to vector<24x1xf32>
    %broadcast_in_dim3A_38 = vector.broadcast %broadcast_in_dim3A_37 : vector<24x1xf32> to vector<24x192xf32>
    %jit3A_39 = arith.constant 0.000000e+00 : f32
    %broadcast_in_dim3A_40 = vector.broadcast %jit3A_39 : f32 to vector<24x192xf32>
    %select_n3A_41 = arith.select %eq3A, %broadcast_in_dim3A_38, %broadcast_in_dim3A_40 : vector<24x192xi1>, vector<24x192xf32>
    %reduce_sum3A_42 = arith.constant dense<0.000000e+00> : vector<192xf32>
    %reduce_sum3A_43 = vector.multi_reduction <add>, %select_n3A_41, %reduce_sum3A_42 [0] : vector<24x192xf32> to vector<192xf32>
    %broadcast_in_dim3A_44 = vector.shape_cast %reduce_sum3A_43 : vector<192xf32> to vector<1x192xf32>
    %lt3A = vector.broadcast %broadcast_in_dim3A_44 : vector<1x192xf32> to vector<24x192xf32>
    %lt3A_45 = vector.broadcast %broadcast_in_dim3A_36 : vector<24x1xf32> to vector<24x192xf32>
    %lt3A_46 = arith.cmpf olt, %lt3A, %lt3A_45 : vector<24x192xf32>
    %eq3A_47 = vector.broadcast %broadcast_in_dim3A_44 : vector<1x192xf32> to vector<24x192xf32>
    %eq3A_48 = vector.broadcast %broadcast_in_dim3A_36 : vector<24x1xf32> to vector<24x192xf32>
    %eq3A_49 = arith.cmpf oeq, %eq3A_47, %eq3A_48 : vector<24x192xf32>
    %lt3A_50 = arith.cmpi slt, %select_n3A, %iota3A_6 : vector<24x192xi32>
    %and3A_51 = arith.andi %eq3A_49, %lt3A_50 : vector<24x192xi1>
    %convert_element_type3A = arith.extui %lt3A_46 : vector<24x192xi1> to vector<24x192xi32>
    %convert_element_type3A_52 = arith.sitofp %convert_element_type3A : vector<24x192xi32> to vector<24x192xf32>
    %convert_element_type3A_53 = arith.extui %and3A_51 : vector<24x192xi1> to vector<24x192xi32>
    %convert_element_type3A_54 = arith.sitofp %convert_element_type3A_53 : vector<24x192xi32> to vector<24x192xf32>
    %add3A_55 = arith.addf %convert_element_type3A_52, %convert_element_type3A_54 : vector<24x192xf32>
    %reduce_sum3A_56 = arith.constant dense<0.000000e+00> : vector<24xf32>
    %reduce_sum3A_57 = vector.multi_reduction <add>, %add3A_55, %reduce_sum3A_56 [1] : vector<24x192xf32> to vector<24xf32>
    %broadcast_in_dim3A_58 = vector.shape_cast %reduce_sum3A_57 : vector<24xf32> to vector<24x1xf32>
    %mul3A_59 = arith.constant 1.250000e-01 : f32
    %mul3A_60 = vector.broadcast %mul3A_59 : f32 to vector<24x1xf32>
    %mul3A_61 = arith.mulf %broadcast_in_dim3A_58, %mul3A_60 : vector<24x1xf32>
    %lt3A_62 = arith.constant 1.600000e+01 : f32
    %lt3A_63 = vector.broadcast %lt3A_62 : f32 to vector<24x1xf32>
    %lt3A_64 = arith.cmpf olt, %mul3A_61, %lt3A_63 : vector<24x1xf32>
    %convert_element_type3A_65 = arith.extui %lt3A_64 : vector<24x1xi1> to vector<24x1xi32>
    %convert_element_type3A_66 = arith.sitofp %convert_element_type3A_65 : vector<24x1xi32> to vector<24x1xf32>
    %broadcast_in_dim3A_67 = vector.shape_cast %convert_element_type3A_66 : vector<24x1xf32> to vector<24x1xf32>
    %broadcast_in_dim3A_68 = vector.broadcast %broadcast_in_dim3A_67 : vector<24x1xf32> to vector<24x192xf32>
    %jit3A_69 = arith.constant 0.000000e+00 : f32
    %broadcast_in_dim3A_70 = vector.broadcast %jit3A_69 : f32 to vector<24x192xf32>
    %select_n3A_71 = arith.select %eq3A, %broadcast_in_dim3A_68, %broadcast_in_dim3A_70 : vector<24x192xi1>, vector<24x192xf32>
    %reduce_sum3A_72 = arith.constant dense<0.000000e+00> : vector<192xf32>
    %reduce_sum3A_73 = vector.multi_reduction <add>, %select_n3A_71, %reduce_sum3A_72 [0] : vector<24x192xf32> to vector<192xf32>
    %broadcast_in_dim3A_74 = vector.shape_cast %reduce_sum3A_73 : vector<192xf32> to vector<1x192xf32>
    %concatenate3A = tpu.concatenate %broadcast_in_dim3A_74, %broadcast_in_dim3A_74 in 1 : vector<1x192xf32>, vector<1x192xf32> -> vector<1x384xf32>
    %mul3A_75 = vector.broadcast %concatenate3A : vector<1x384xf32> to vector<1024x384xf32>
    %mul3A_76 = arith.mulf %get3A_3, %mul3A_75 : vector<1024x384xf32>
    %swap3A = arith.constant 0 : index
    %swap3A_77 = arith.constant 0 : index
    %swap3A_78 = arith.constant 0 : index
    %swap3A_79 = vector.load %arg2[%swap3A, %swap3A_77, %swap3A_78] : memref<1x4096x384xf32, #tpu.memory_space<vmem>>, vector<1x1024x384xf32>
    %swap3A_80 = vector.shape_cast %swap3A_79 : vector<1x1024x384xf32> to vector<1024x384xf32>
    %swap3A_81 = vector.shape_cast %mul3A_76 : vector<1024x384xf32> to vector<1x1024x384xf32>
    tpu.vector_store %arg2[%swap3A, %swap3A_77, %swap3A_78], %swap3A_81 {strides = array<i32>} : memref<1x4096x384xf32, #tpu.memory_space<vmem>>, vector<1x1024x384xf32>,
    %get3A_82 = arith.constant 0 : index
    %get3A_83 = arith.constant 1024 : index
    %get3A_84 = arith.constant 0 : index
    %get3A_85 = vector.load %arg1[%get3A_82, %get3A_83, %get3A_84] : memref<1x4096x384xf32, #tpu.memory_space<vmem>>, vector<1x1024x384xf32>
    %get3A_86 = vector.shape_cast %get3A_85 : vector<1x1024x384xf32> to vector<1024x384xf32>
    %mul3A_87 = arith.mulf %get3A_86, %get3A_86 : vector<1024x384xf32>
    %reduce_sum3A_88 = arith.constant dense<0.000000e+00> : vector<384xf32>
    %reduce_sum3A_89 = vector.multi_reduction <add>, %mul3A_87, %reduce_sum3A_88 [0] : vector<1024x384xf32> to vector<384xf32>
    %broadcast_in_dim3A_90 = vector.shape_cast %reduce_sum3A_89 : vector<384xf32> to vector<1x384xf32>
    %slice3A_91 = vector.extract_strided_slice %broadcast_in_dim3A_90 {offsets = [0, 0], sizes = [1, 192], strides = [1, 1]} : vector<1x384xf32> to vector<1x192xf32>
    %slice3A_92 = vector.extract_strided_slice %broadcast_in_dim3A_90 {offsets = [0, 192], sizes = [1, 192], strides = [1, 1]} : vector<1x384xf32> to vector<1x192xf32>
    %add3A_93 = arith.addf %slice3A_91, %slice3A_92 : vector<1x192xf32>
    %iota3A_94 = tpu.iota {dimensions = array<i32: 1>} : vector<24x192xi32>
    %iota3A_95 = tpu.iota {dimensions = array<i32: 0>} : vector<24x192xi32>
    %jit3A_96 = arith.constant 8 : i32
    %div3A_97 = vector.broadcast %jit3A_96 : i32 to vector<24x192xi32>
    %div3A_98 = arith.divsi %iota3A_94, %div3A_97 : vector<24x192xi32>
    %sign3A_99 = arith.constant 0 : i32
    %sign3A_100 = vector.broadcast %sign3A_99 : i32 to vector<24x192xi32>
    %sign3A_101 = arith.cmpi sgt, %iota3A_94, %sign3A_100 : vector<24x192xi32>
    %sign3A_102 = arith.extui %sign3A_101 : vector<24x192xi1> to vector<24x192xi32>
    %sign3A_103 = arith.constant 0 : i32
    %sign3A_104 = vector.broadcast %sign3A_103 : i32 to vector<24x192xi32>
    %sign3A_105 = arith.cmpi slt, %iota3A_94, %sign3A_104 : vector<24x192xi32>
    %sign3A_106 = arith.extui %sign3A_105 : vector<24x192xi1> to vector<24x192xi32>
    %sign3A_107 = arith.subi %sign3A_102, %sign3A_106 : vector<24x192xi32>
    %sign3A_108 = arith.constant 0 : i32
    %sign3A_109 = arith.cmpi sgt, %jit3A_96, %sign3A_108 : i32
    %sign3A_110 = arith.extui %sign3A_109 : i1 to i32
    %sign3A_111 = arith.constant 0 : i32
    %sign3A_112 = arith.cmpi slt, %jit3A_96, %sign3A_111 : i32
    %sign3A_113 = arith.extui %sign3A_112 : i1 to i32
    %sign3A_114 = arith.subi %sign3A_110, %sign3A_113 : i32
    %ne3A_115 = vector.broadcast %sign3A_114 : i32 to vector<24x192xi32>
    %ne3A_116 = arith.cmpi ne, %sign3A_107, %ne3A_115 : vector<24x192xi32>
    %rem3A_117 = vector.broadcast %jit3A_96 : i32 to vector<24x192xi32>
    %rem3A_118 = arith.remsi %iota3A_94, %rem3A_117 : vector<24x192xi32>
    %ne3A_119 = arith.constant 0 : i32
    %ne3A_120 = vector.broadcast %ne3A_119 : i32 to vector<24x192xi32>
    %ne3A_121 = arith.cmpi ne, %rem3A_118, %ne3A_120 : vector<24x192xi32>
    %and3A_122 = arith.andi %ne3A_116, %ne3A_121 : vector<24x192xi1>
    %sub3A_123 = arith.constant 1 : i32
    %sub3A_124 = vector.broadcast %sub3A_123 : i32 to vector<24x192xi32>
    %sub3A_125 = arith.subi %div3A_98, %sub3A_124 : vector<24x192xi32>
    %select_n3A_126 = arith.select %and3A_122, %sub3A_125, %div3A_98 : vector<24x192xi1>, vector<24x192xi32>
    %eq3A_127 = arith.cmpi eq, %select_n3A_126, %iota3A_95 : vector<24x192xi32>
    %broadcast_in_dim3A_128 = vector.shape_cast %add3A_93 : vector<1x192xf32> to vector<1x192xf32>
    %broadcast_in_dim3A_129 = vector.broadcast %broadcast_in_dim3A_128 : vector<1x192xf32> to vector<24x192xf32>
    %jit3A_130 = arith.constant -1.000000e+00 : f32
    %broadcast_in_dim3A_131 = vector.broadcast %jit3A_130 : f32 to vector<24x192xf32>
    %select_n3A_132 = arith.select %eq3A_127, %broadcast_in_dim3A_129, %broadcast_in_dim3A_131 : vector<24x192xi1>, vector<24x192xf32>
    %reduce_max3A_133 = arith.constant dense<0xFF800000> : vector<24xf32>
    %reduce_max3A_134 = vector.multi_reduction <maximumf>, %select_n3A_132, %reduce_max3A_133 [1] : vector<24x192xf32> to vector<24xf32>
    %broadcast_in_dim3A_135 = vector.shape_cast %reduce_max3A_134 : vector<24xf32> to vector<24x1xf32>
    %broadcast_in_dim3A_136 = vector.shape_cast %broadcast_in_dim3A_135 : vector<24x1xf32> to vector<24x1xf32>
    %broadcast_in_dim3A_137 = vector.broadcast %broadcast_in_dim3A_136 : vector<24x1xf32> to vector<24x192xf32>
    %jit3A_138 = arith.constant 0.000000e+00 : f32
    %broadcast_in_dim3A_139 = vector.broadcast %jit3A_138 : f32 to vector<24x192xf32>
    %select_n3A_140 = arith.select %eq3A_127, %broadcast_in_dim3A_137, %broadcast_in_dim3A_139 : vector<24x192xi1>, vector<24x192xf32>
    %reduce_sum3A_141 = arith.constant dense<0.000000e+00> : vector<192xf32>
    %reduce_sum3A_142 = vector.multi_reduction <add>, %select_n3A_140, %reduce_sum3A_141 [0] : vector<24x192xf32> to vector<192xf32>
    %broadcast_in_dim3A_143 = vector.shape_cast %reduce_sum3A_142 : vector<192xf32> to vector<1x192xf32>
    %lt3A_144 = vector.broadcast %broadcast_in_dim3A_143 : vector<1x192xf32> to vector<24x192xf32>
    %lt3A_145 = vector.broadcast %broadcast_in_dim3A_135 : vector<24x1xf32> to vector<24x192xf32>
    %lt3A_146 = arith.cmpf olt, %lt3A_144, %lt3A_145 : vector<24x192xf32>
    %eq3A_147 = vector.broadcast %broadcast_in_dim3A_143 : vector<1x192xf32> to vector<24x192xf32>
    %eq3A_148 = vector.broadcast %broadcast_in_dim3A_135 : vector<24x1xf32> to vector<24x192xf32>
    %eq3A_149 = arith.cmpf oeq, %eq3A_147, %eq3A_148 : vector<24x192xf32>
    %lt3A_150 = arith.cmpi slt, %select_n3A_126, %iota3A_95 : vector<24x192xi32>
    %and3A_151 = arith.andi %eq3A_149, %lt3A_150 : vector<24x192xi1>
    %convert_element_type3A_152 = arith.extui %lt3A_146 : vector<24x192xi1> to vector<24x192xi32>
    %convert_element_type3A_153 = arith.sitofp %convert_element_type3A_152 : vector<24x192xi32> to vector<24x192xf32>
    %convert_element_type3A_154 = arith.extui %and3A_151 : vector<24x192xi1> to vector<24x192xi32>
    %convert_element_type3A_155 = arith.sitofp %convert_element_type3A_154 : vector<24x192xi32> to vector<24x192xf32>
    %add3A_156 = arith.addf %convert_element_type3A_153, %convert_element_type3A_155 : vector<24x192xf32>
    %reduce_sum3A_157 = arith.constant dense<0.000000e+00> : vector<24xf32>
    %reduce_sum3A_158 = vector.multi_reduction <add>, %add3A_156, %reduce_sum3A_157 [1] : vector<24x192xf32> to vector<24xf32>
    %broadcast_in_dim3A_159 = vector.shape_cast %reduce_sum3A_158 : vector<24xf32> to vector<24x1xf32>
    %mul3A_160 = arith.constant 1.250000e-01 : f32
    %mul3A_161 = vector.broadcast %mul3A_160 : f32 to vector<24x1xf32>
    %mul3A_162 = arith.mulf %broadcast_in_dim3A_159, %mul3A_161 : vector<24x1xf32>
    %lt3A_163 = arith.constant 1.600000e+01 : f32
    %lt3A_164 = vector.broadcast %lt3A_163 : f32 to vector<24x1xf32>
    %lt3A_165 = arith.cmpf olt, %mul3A_162, %lt3A_164 : vector<24x1xf32>
    %convert_element_type3A_166 = arith.extui %lt3A_165 : vector<24x1xi1> to vector<24x1xi32>
    %convert_element_type3A_167 = arith.sitofp %convert_element_type3A_166 : vector<24x1xi32> to vector<24x1xf32>
    %broadcast_in_dim3A_168 = vector.shape_cast %convert_element_type3A_167 : vector<24x1xf32> to vector<24x1xf32>
    %broadcast_in_dim3A_169 = vector.broadcast %broadcast_in_dim3A_168 : vector<24x1xf32> to vector<24x192xf32>
    %jit3A_170 = arith.constant 0.000000e+00 : f32
    %broadcast_in_dim3A_171 = vector.broadcast %jit3A_170 : f32 to vector<24x192xf32>
    %select_n3A_172 = arith.select %eq3A_127, %broadcast_in_dim3A_169, %broadcast_in_dim3A_171 : vector<24x192xi1>, vector<24x192xf32>
    %reduce_sum3A_173 = arith.constant dense<0.000000e+00> : vector<192xf32>
    %reduce_sum3A_174 = vector.multi_reduction <add>, %select_n3A_172, %reduce_sum3A_173 [0] : vector<24x192xf32> to vector<192xf32>
    %broadcast_in_dim3A_175 = vector.shape_cast %reduce_sum3A_174 : vector<192xf32> to vector<1x192xf32>
    %concatenate3A_176 = tpu.concatenate %broadcast_in_dim3A_175, %broadcast_in_dim3A_175 in 1 : vector<1x192xf32>, vector<1x192xf32> -> vector<1x384xf32>
    %mul3A_177 = vector.broadcast %concatenate3A_176 : vector<1x384xf32> to vector<1024x384xf32>
    %mul3A_178 = arith.mulf %get3A_86, %mul3A_177 : vector<1024x384xf32>
    %swap3A_179 = arith.constant 0 : index
    %swap3A_180 = arith.constant 1024 : index
    %swap3A_181 = arith.constant 0 : index
    %swap3A_182 = vector.load %arg2[%swap3A_179, %swap3A_180, %swap3A_181] : memref<1x4096x384xf32, #tpu.memory_space<vmem>>, vector<1x1024x384xf32>
    %swap3A_183 = vector.shape_cast %swap3A_182 : vector<1x1024x384xf32> to vector<1024x384xf32>
    %swap3A_184 = vector.shape_cast %mul3A_178 : vector<1024x384xf32> to vector<1x1024x384xf32>
    tpu.vector_store %arg2[%swap3A_179, %swap3A_180, %swap3A_181], %swap3A_184 {strides = array<i32>} : memref<1x4096x384xf32, #tpu.memory_space<vmem>>, vector<1x1024x384xf32>,
    %get3A_185 = arith.constant 0 : index
    %get3A_186 = arith.constant 2048 : index
    %get3A_187 = arith.constant 0 : index
    %get3A_188 = vector.load %arg1[%get3A_185, %get3A_186, %get3A_187] : memref<1x4096x384xf32, #tpu.memory_space<vmem>>, vector<1x1024x384xf32>
    %get3A_189 = vector.shape_cast %get3A_188 : vector<1x1024x384xf32> to vector<1024x384xf32>
    %mul3A_190 = arith.mulf %get3A_189, %get3A_189 : vector<1024x384xf32>
    %reduce_sum3A_191 = arith.constant dense<0.000000e+00> : vector<384xf32>
    %reduce_sum3A_192 = vector.multi_reduction <add>, %mul3A_190, %reduce_sum3A_191 [0] : vector<1024x384xf32> to vector<384xf32>
    %broadcast_in_dim3A_193 = vector.shape_cast %reduce_sum3A_192 : vector<384xf32> to vector<1x384xf32>
    %slice3A_194 = vector.extract_strided_slice %broadcast_in_dim3A_193 {offsets = [0, 0], sizes = [1, 192], strides = [1, 1]} : vector<1x384xf32> to vector<1x192xf32>
    %slice3A_195 = vector.extract_strided_slice %broadcast_in_dim3A_193 {offsets = [0, 192], sizes = [1, 192], strides = [1, 1]} : vector<1x384xf32> to vector<1x192xf32>
    %add3A_196 = arith.addf %slice3A_194, %slice3A_195 : vector<1x192xf32>
    %iota3A_197 = tpu.iota {dimensions = array<i32: 1>} : vector<24x192xi32>
    %iota3A_198 = tpu.iota {dimensions = array<i32: 0>} : vector<24x192xi32>
    %jit3A_199 = arith.constant 8 : i32
    %div3A_200 = vector.broadcast %jit3A_199 : i32 to vector<24x192xi32>
    %div3A_201 = arith.divsi %iota3A_197, %div3A_200 : vector<24x192xi32>
    %sign3A_202 = arith.constant 0 : i32
    %sign3A_203 = vector.broadcast %sign3A_202 : i32 to vector<24x192xi32>
    %sign3A_204 = arith.cmpi sgt, %iota3A_197, %sign3A_203 : vector<24x192xi32>
    %sign3A_205 = arith.extui %sign3A_204 : vector<24x192xi1> to vector<24x192xi32>
    %sign3A_206 = arith.constant 0 : i32
    %sign3A_207 = vector.broadcast %sign3A_206 : i32 to vector<24x192xi32>
    %sign3A_208 = arith.cmpi slt, %iota3A_197, %sign3A_207 : vector<24x192xi32>
    %sign3A_209 = arith.extui %sign3A_208 : vector<24x192xi1> to vector<24x192xi32>
    %sign3A_210 = arith.subi %sign3A_205, %sign3A_209 : vector<24x192xi32>
    %sign3A_211 = arith.constant 0 : i32
    %sign3A_212 = arith.cmpi sgt, %jit3A_199, %sign3A_211 : i32
    %sign3A_213 = arith.extui %sign3A_212 : i1 to i32
    %sign3A_214 = arith.constant 0 : i32
    %sign3A_215 = arith.cmpi slt, %jit3A_199, %sign3A_214 : i32
    %sign3A_216 = arith.extui %sign3A_215 : i1 to i32
    %sign3A_217 = arith.subi %sign3A_213, %sign3A_216 : i32
    %ne3A_218 = vector.broadcast %sign3A_217 : i32 to vector<24x192xi32>
    %ne3A_219 = arith.cmpi ne, %sign3A_210, %ne3A_218 : vector<24x192xi32>
    %rem3A_220 = vector.broadcast %jit3A_199 : i32 to vector<24x192xi32>
    %rem3A_221 = arith.remsi %iota3A_197, %rem3A_220 : vector<24x192xi32>
    %ne3A_222 = arith.constant 0 : i32
    %ne3A_223 = vector.broadcast %ne3A_222 : i32 to vector<24x192xi32>
    %ne3A_224 = arith.cmpi ne, %rem3A_221, %ne3A_223 : vector<24x192xi32>
    %and3A_225 = arith.andi %ne3A_219, %ne3A_224 : vector<24x192xi1>
    %sub3A_226 = arith.constant 1 : i32
    %sub3A_227 = vector.broadcast %sub3A_226 : i32 to vector<24x192xi32>
    %sub3A_228 = arith.subi %div3A_201, %sub3A_227 : vector<24x192xi32>
    %select_n3A_229 = arith.select %and3A_225, %sub3A_228, %div3A_201 : vector<24x192xi1>, vector<24x192xi32>
    %eq3A_230 = arith.cmpi eq, %select_n3A_229, %iota3A_198 : vector<24x192xi32>
    %broadcast_in_dim3A_231 = vector.shape_cast %add3A_196 : vector<1x192xf32> to vector<1x192xf32>
    %broadcast_in_dim3A_232 = vector.broadcast %broadcast_in_dim3A_231 : vector<1x192xf32> to vector<24x192xf32>
    %jit3A_233 = arith.constant -1.000000e+00 : f32
    %broadcast_in_dim3A_234 = vector.broadcast %jit3A_233 : f32 to vector<24x192xf32>
    %select_n3A_235 = arith.select %eq3A_230, %broadcast_in_dim3A_232, %broadcast_in_dim3A_234 : vector<24x192xi1>, vector<24x192xf32>
    %reduce_max3A_236 = arith.constant dense<0xFF800000> : vector<24xf32>
    %reduce_max3A_237 = vector.multi_reduction <maximumf>, %select_n3A_235, %reduce_max3A_236 [1] : vector<24x192xf32> to vector<24xf32>
    %broadcast_in_dim3A_238 = vector.shape_cast %reduce_max3A_237 : vector<24xf32> to vector<24x1xf32>
    %broadcast_in_dim3A_239 = vector.shape_cast %broadcast_in_dim3A_238 : vector<24x1xf32> to vector<24x1xf32>
    %broadcast_in_dim3A_240 = vector.broadcast %broadcast_in_dim3A_239 : vector<24x1xf32> to vector<24x192xf32>
    %jit3A_241 = arith.constant 0.000000e+00 : f32
    %broadcast_in_dim3A_242 = vector.broadcast %jit3A_241 : f32 to vector<24x192xf32>
    %select_n3A_243 = arith.select %eq3A_230, %broadcast_in_dim3A_240, %broadcast_in_dim3A_242 : vector<24x192xi1>, vector<24x192xf32>
    %reduce_sum3A_244 = arith.constant dense<0.000000e+00> : vector<192xf32>
    %reduce_sum3A_245 = vector.multi_reduction <add>, %select_n3A_243, %reduce_sum3A_244 [0] : vector<24x192xf32> to vector<192xf32>
    %broadcast_in_dim3A_246 = vector.shape_cast %reduce_sum3A_245 : vector<192xf32> to vector<1x192xf32>
    %lt3A_247 = vector.broadcast %broadcast_in_dim3A_246 : vector<1x192xf32> to vector<24x192xf32>
    %lt3A_248 = vector.broadcast %broadcast_in_dim3A_238 : vector<24x1xf32> to vector<24x192xf32>
    %lt3A_249 = arith.cmpf olt, %lt3A_247, %lt3A_248 : vector<24x192xf32>
    %eq3A_250 = vector.broadcast %broadcast_in_dim3A_246 : vector<1x192xf32> to vector<24x192xf32>
    %eq3A_251 = vector.broadcast %broadcast_in_dim3A_238 : vector<24x1xf32> to vector<24x192xf32>
    %eq3A_252 = arith.cmpf oeq, %eq3A_250, %eq3A_251 : vector<24x192xf32>
    %lt3A_253 = arith.cmpi slt, %select_n3A_229, %iota3A_198 : vector<24x192xi32>
    %and3A_254 = arith.andi %eq3A_252, %lt3A_253 : vector<24x192xi1>
    %convert_element_type3A_255 = arith.extui %lt3A_249 : vector<24x192xi1> to vector<24x192xi32>
    %convert_element_type3A_256 = arith.sitofp %convert_element_type3A_255 : vector<24x192xi32> to vector<24x192xf32>
    %convert_element_type3A_257 = arith.extui %and3A_254 : vector<24x192xi1> to vector<24x192xi32>
    %convert_element_type3A_258 = arith.sitofp %convert_element_type3A_257 : vector<24x192xi32> to vector<24x192xf32>
    %add3A_259 = arith.addf %convert_element_type3A_256, %convert_element_type3A_258 : vector<24x192xf32>
    %reduce_sum3A_260 = arith.constant dense<0.000000e+00> : vector<24xf32>
    %reduce_sum3A_261 = vector.multi_reduction <add>, %add3A_259, %reduce_sum3A_260 [1] : vector<24x192xf32> to vector<24xf32>
    %broadcast_in_dim3A_262 = vector.shape_cast %reduce_sum3A_261 : vector<24xf32> to vector<24x1xf32>
    %mul3A_263 = arith.constant 1.250000e-01 : f32
    %mul3A_264 = vector.broadcast %mul3A_263 : f32 to vector<24x1xf32>
    %mul3A_265 = arith.mulf %broadcast_in_dim3A_262, %mul3A_264 : vector<24x1xf32>
    %lt3A_266 = arith.constant 1.600000e+01 : f32
    %lt3A_267 = vector.broadcast %lt3A_266 : f32 to vector<24x1xf32>
    %lt3A_268 = arith.cmpf olt, %mul3A_265, %lt3A_267 : vector<24x1xf32>
    %convert_element_type3A_269 = arith.extui %lt3A_268 : vector<24x1xi1> to vector<24x1xi32>
    %convert_element_type3A_270 = arith.sitofp %convert_element_type3A_269 : vector<24x1xi32> to vector<24x1xf32>
    %broadcast_in_dim3A_271 = vector.shape_cast %convert_element_type3A_270 : vector<24x1xf32> to vector<24x1xf32>
    %broadcast_in_dim3A_272 = vector.broadcast %broadcast_in_dim3A_271 : vector<24x1xf32> to vector<24x192xf32>
    %jit3A_273 = arith.constant 0.000000e+00 : f32
    %broadcast_in_dim3A_274 = vector.broadcast %jit3A_273 : f32 to vector<24x192xf32>
    %select_n3A_275 = arith.select %eq3A_230, %broadcast_in_dim3A_272, %broadcast_in_dim3A_274 : vector<24x192xi1>, vector<24x192xf32>
    %reduce_sum3A_276 = arith.constant dense<0.000000e+00> : vector<192xf32>
    %reduce_sum3A_277 = vector.multi_reduction <add>, %select_n3A_275, %reduce_sum3A_276 [0] : vector<24x192xf32> to vector<192xf32>
    %broadcast_in_dim3A_278 = vector.shape_cast %reduce_sum3A_277 : vector<192xf32> to vector<1x192xf32>
    %concatenate3A_279 = tpu.concatenate %broadcast_in_dim3A_278, %broadcast_in_dim3A_278 in 1 : vector<1x192xf32>, vector<1x192xf32> -> vector<1x384xf32>
    %mul3A_280 = vector.broadcast %concatenate3A_279 : vector<1x384xf32> to vector<1024x384xf32>
    %mul3A_281 = arith.mulf %get3A_189, %mul3A_280 : vector<1024x384xf32>
    %swap3A_282 = arith.constant 0 : index
    %swap3A_283 = arith.constant 2048 : index
    %swap3A_284 = arith.constant 0 : index
    %swap3A_285 = vector.load %arg2[%swap3A_282, %swap3A_283, %swap3A_284] : memref<1x4096x384xf32, #tpu.memory_space<vmem>>, vector<1x1024x384xf32>
    %swap3A_286 = vector.shape_cast %swap3A_285 : vector<1x1024x384xf32> to vector<1024x384xf32>
    %swap3A_287 = vector.shape_cast %mul3A_281 : vector<1024x384xf32> to vector<1x1024x384xf32>
    tpu.vector_store %arg2[%swap3A_282, %swap3A_283, %swap3A_284], %swap3A_287 {strides = array<i32>} : memref<1x4096x384xf32, #tpu.memory_space<vmem>>, vector<1x1024x384xf32>,
    %get3A_288 = arith.constant 0 : index
    %get3A_289 = arith.constant 3072 : index
    %get3A_290 = arith.constant 0 : index
    %get3A_291 = vector.load %arg1[%get3A_288, %get3A_289, %get3A_290] : memref<1x4096x384xf32, #tpu.memory_space<vmem>>, vector<1x1024x384xf32>
    %get3A_292 = vector.shape_cast %get3A_291 : vector<1x1024x384xf32> to vector<1024x384xf32>
    %mul3A_293 = arith.mulf %get3A_292, %get3A_292 : vector<1024x384xf32>
    %reduce_sum3A_294 = arith.constant dense<0.000000e+00> : vector<384xf32>
    %reduce_sum3A_295 = vector.multi_reduction <add>, %mul3A_293, %reduce_sum3A_294 [0] : vector<1024x384xf32> to vector<384xf32>
    %broadcast_in_dim3A_296 = vector.shape_cast %reduce_sum3A_295 : vector<384xf32> to vector<1x384xf32>
    %slice3A_297 = vector.extract_strided_slice %broadcast_in_dim3A_296 {offsets = [0, 0], sizes = [1, 192], strides = [1, 1]} : vector<1x384xf32> to vector<1x192xf32>
    %slice3A_298 = vector.extract_strided_slice %broadcast_in_dim3A_296 {offsets = [0, 192], sizes = [1, 192], strides = [1, 1]} : vector<1x384xf32> to vector<1x192xf32>
    %add3A_299 = arith.addf %slice3A_297, %slice3A_298 : vector<1x192xf32>
    %iota3A_300 = tpu.iota {dimensions = array<i32: 1>} : vector<24x192xi32>
    %iota3A_301 = tpu.iota {dimensions = array<i32: 0>} : vector<24x192xi32>
    %jit3A_302 = arith.constant 8 : i32
    %div3A_303 = vector.broadcast %jit3A_302 : i32 to vector<24x192xi32>
    %div3A_304 = arith.divsi %iota3A_300, %div3A_303 : vector<24x192xi32>
    %sign3A_305 = arith.constant 0 : i32
    %sign3A_306 = vector.broadcast %sign3A_305 : i32 to vector<24x192xi32>
    %sign3A_307 = arith.cmpi sgt, %iota3A_300, %sign3A_306 : vector<24x192xi32>
    %sign3A_308 = arith.extui %sign3A_307 : vector<24x192xi1> to vector<24x192xi32>
    %sign3A_309 = arith.constant 0 : i32
    %sign3A_310 = vector.broadcast %sign3A_309 : i32 to vector<24x192xi32>
    %sign3A_311 = arith.cmpi slt, %iota3A_300, %sign3A_310 : vector<24x192xi32>
    %sign3A_312 = arith.extui %sign3A_311 : vector<24x192xi1> to vector<24x192xi32>
    %sign3A_313 = arith.subi %sign3A_308, %sign3A_312 : vector<24x192xi32>
    %sign3A_314 = arith.constant 0 : i32
    %sign3A_315 = arith.cmpi sgt, %jit3A_302, %sign3A_314 : i32
    %sign3A_316 = arith.extui %sign3A_315 : i1 to i32
    %sign3A_317 = arith.constant 0 : i32
    %sign3A_318 = arith.cmpi slt, %jit3A_302, %sign3A_317 : i32
    %sign3A_319 = arith.extui %sign3A_318 : i1 to i32
    %sign3A_320 = arith.subi %sign3A_316, %sign3A_319 : i32
    %ne3A_321 = vector.broadcast %sign3A_320 : i32 to vector<24x192xi32>
    %ne3A_322 = arith.cmpi ne, %sign3A_313, %ne3A_321 : vector<24x192xi32>
    %rem3A_323 = vector.broadcast %jit3A_302 : i32 to vector<24x192xi32>
    %rem3A_324 = arith.remsi %iota3A_300, %rem3A_323 : vector<24x192xi32>
    %ne3A_325 = arith.constant 0 : i32
    %ne3A_326 = vector.broadcast %ne3A_325 : i32 to vector<24x192xi32>
    %ne3A_327 = arith.cmpi ne, %rem3A_324, %ne3A_326 : vector<24x192xi32>
    %and3A_328 = arith.andi %ne3A_322, %ne3A_327 : vector<24x192xi1>
    %sub3A_329 = arith.constant 1 : i32
    %sub3A_330 = vector.broadcast %sub3A_329 : i32 to vector<24x192xi32>
    %sub3A_331 = arith.subi %div3A_304, %sub3A_330 : vector<24x192xi32>
    %select_n3A_332 = arith.select %and3A_328, %sub3A_331, %div3A_304 : vector<24x192xi1>, vector<24x192xi32>
    %eq3A_333 = arith.cmpi eq, %select_n3A_332, %iota3A_301 : vector<24x192xi32>
    %broadcast_in_dim3A_334 = vector.shape_cast %add3A_299 : vector<1x192xf32> to vector<1x192xf32>
    %broadcast_in_dim3A_335 = vector.broadcast %broadcast_in_dim3A_334 : vector<1x192xf32> to vector<24x192xf32>
    %jit3A_336 = arith.constant -1.000000e+00 : f32
    %broadcast_in_dim3A_337 = vector.broadcast %jit3A_336 : f32 to vector<24x192xf32>
    %select_n3A_338 = arith.select %eq3A_333, %broadcast_in_dim3A_335, %broadcast_in_dim3A_337 : vector<24x192xi1>, vector<24x192xf32>
    %reduce_max3A_339 = arith.constant dense<0xFF800000> : vector<24xf32>
    %reduce_max3A_340 = vector.multi_reduction <maximumf>, %select_n3A_338, %reduce_max3A_339 [1] : vector<24x192xf32> to vector<24xf32>
    %broadcast_in_dim3A_341 = vector.shape_cast %reduce_max3A_340 : vector<24xf32> to vector<24x1xf32>
    %broadcast_in_dim3A_342 = vector.shape_cast %broadcast_in_dim3A_341 : vector<24x1xf32> to vector<24x1xf32>
    %broadcast_in_dim3A_343 = vector.broadcast %broadcast_in_dim3A_342 : vector<24x1xf32> to vector<24x192xf32>
    %jit3A_344 = arith.constant 0.000000e+00 : f32
    %broadcast_in_dim3A_345 = vector.broadcast %jit3A_344 : f32 to vector<24x192xf32>
    %select_n3A_346 = arith.select %eq3A_333, %broadcast_in_dim3A_343, %broadcast_in_dim3A_345 : vector<24x192xi1>, vector<24x192xf32>
    %reduce_sum3A_347 = arith.constant dense<0.000000e+00> : vector<192xf32>
    %reduce_sum3A_348 = vector.multi_reduction <add>, %select_n3A_346, %reduce_sum3A_347 [0] : vector<24x192xf32> to vector<192xf32>
    %broadcast_in_dim3A_349 = vector.shape_cast %reduce_sum3A_348 : vector<192xf32> to vector<1x192xf32>
    %lt3A_350 = vector.broadcast %broadcast_in_dim3A_349 : vector<1x192xf32> to vector<24x192xf32>
    %lt3A_351 = vector.broadcast %broadcast_in_dim3A_341 : vector<24x1xf32> to vector<24x192xf32>
    %lt3A_352 = arith.cmpf olt, %lt3A_350, %lt3A_351 : vector<24x192xf32>
    %eq3A_353 = vector.broadcast %broadcast_in_dim3A_349 : vector<1x192xf32> to vector<24x192xf32>
    %eq3A_354 = vector.broadcast %broadcast_in_dim3A_341 : vector<24x1xf32> to vector<24x192xf32>
    %eq3A_355 = arith.cmpf oeq, %eq3A_353, %eq3A_354 : vector<24x192xf32>
    %lt3A_356 = arith.cmpi slt, %select_n3A_332, %iota3A_301 : vector<24x192xi32>
    %and3A_357 = arith.andi %eq3A_355, %lt3A_356 : vector<24x192xi1>
    %convert_element_type3A_358 = arith.extui %lt3A_352 : vector<24x192xi1> to vector<24x192xi32>
    %convert_element_type3A_359 = arith.sitofp %convert_element_type3A_358 : vector<24x192xi32> to vector<24x192xf32>
    %convert_element_type3A_360 = arith.extui %and3A_357 : vector<24x192xi1> to vector<24x192xi32>
    %convert_element_type3A_361 = arith.sitofp %convert_element_type3A_360 : vector<24x192xi32> to vector<24x192xf32>
    %add3A_362 = arith.addf %convert_element_type3A_359, %convert_element_type3A_361 : vector<24x192xf32>
    %reduce_sum3A_363 = arith.constant dense<0.000000e+00> : vector<24xf32>
    %reduce_sum3A_364 = vector.multi_reduction <add>, %add3A_362, %reduce_sum3A_363 [1] : vector<24x192xf32> to vector<24xf32>
    %broadcast_in_dim3A_365 = vector.shape_cast %reduce_sum3A_364 : vector<24xf32> to vector<24x1xf32>
    %mul3A_366 = arith.constant 1.250000e-01 : f32
    %mul3A_367 = vector.broadcast %mul3A_366 : f32 to vector<24x1xf32>
    %mul3A_368 = arith.mulf %broadcast_in_dim3A_365, %mul3A_367 : vector<24x1xf32>
    %lt3A_369 = arith.constant 1.600000e+01 : f32
    %lt3A_370 = vector.broadcast %lt3A_369 : f32 to vector<24x1xf32>
    %lt3A_371 = arith.cmpf olt, %mul3A_368, %lt3A_370 : vector<24x1xf32>
    %convert_element_type3A_372 = arith.extui %lt3A_371 : vector<24x1xi1> to vector<24x1xi32>
    %convert_element_type3A_373 = arith.sitofp %convert_element_type3A_372 : vector<24x1xi32> to vector<24x1xf32>
    %broadcast_in_dim3A_374 = vector.shape_cast %convert_element_type3A_373 : vector<24x1xf32> to vector<24x1xf32>
    %broadcast_in_dim3A_375 = vector.broadcast %broadcast_in_dim3A_374 : vector<24x1xf32> to vector<24x192xf32>
    %jit3A_376 = arith.constant 0.000000e+00 : f32
    %broadcast_in_dim3A_377 = vector.broadcast %jit3A_376 : f32 to vector<24x192xf32>
    %select_n3A_378 = arith.select %eq3A_333, %broadcast_in_dim3A_375, %broadcast_in_dim3A_377 : vector<24x192xi1>, vector<24x192xf32>
    %reduce_sum3A_379 = arith.constant dense<0.000000e+00> : vector<192xf32>
    %reduce_sum3A_380 = vector.multi_reduction <add>, %select_n3A_378, %reduce_sum3A_379 [0] : vector<24x192xf32> to vector<192xf32>
    %broadcast_in_dim3A_381 = vector.shape_cast %reduce_sum3A_380 : vector<192xf32> to vector<1x192xf32>
    %concatenate3A_382 = tpu.concatenate %broadcast_in_dim3A_381, %broadcast_in_dim3A_381 in 1 : vector<1x192xf32>, vector<1x192xf32> -> vector<1x384xf32>
    %mul3A_383 = vector.broadcast %concatenate3A_382 : vector<1x384xf32> to vector<1024x384xf32>
    %mul3A_384 = arith.mulf %get3A_292, %mul3A_383 : vector<1024x384xf32>
    %swap3A_385 = arith.constant 0 : index
    %swap3A_386 = arith.constant 3072 : index
    %swap3A_387 = arith.constant 0 : index
    %swap3A_388 = vector.load %arg2[%swap3A_385, %swap3A_386, %swap3A_387] : memref<1x4096x384xf32, #tpu.memory_space<vmem>>, vector<1x1024x384xf32>
    %swap3A_389 = vector.shape_cast %swap3A_388 : vector<1x1024x384xf32> to vector<1024x384xf32>
    %swap3A_390 = vector.shape_cast %mul3A_384 : vector<1024x384xf32> to vector<1x1024x384xf32>
    tpu.vector_store %arg2[%swap3A_385, %swap3A_386, %swap3A_387], %swap3A_390 {strides = array<i32>} : memref<1x4096x384xf32, #tpu.memory_space<vmem>>, vector<1x1024x384xf32>,
    return
  }
  func.func @transform_0(%arg0: i32) -> (i32, i32, i32) {
    %c0_i32 = arith.constant 0 : i32
    %c0_i32_0 = arith.constant 0 : i32
    %c0_i32_1 = arith.constant 0 : i32
    return %arg0, %c0_i32, %c0_i32_0 : i32, i32, i32
  }
  func.func @transform_1(%arg0: i32) -> (i32, i32, i32) {
    %c0_i32 = arith.constant 0 : i32
    %c0_i32_0 = arith.constant 0 : i32
    %c0_i32_1 = arith.constant 0 : i32
    return %arg0, %c0_i32, %c0_i32_0 : i32, i32, i32
  }
}

</mosaic_0001>

<sc_bundles>
// kernel: sparse-core-data-format-call.cloned.1.call-start
scs
called_computation_lowered:
.L_overlay_start_0:
0x0: {  	s2 =	sld [smem:$0x3FD9]  }
0x1: {  	s3 =	sld [smem:$0x3FFE];
	_ =	sdelay $0x1  }
0x2: {  	s1 =	srdreg.scid  }
0x3: {  	s0 =	sand.u32 $0x1, s1  }
0x4: {  	s18 =	sshll.u32 s0, $0xA;
	s2 =	sadd.s32 s3, s2  }
0x5: {  	s2 =	sadd.s32 s2, s18  }
0x6: {  	[smem:$0x3FC7] =	sst s2  }
0x7: {  	_ = 	snop  }
0x8: {  	s2 =	sld [smem:$0x3FD0];
	(tm) =	ssettm $0x1  }
0x9: {  	s19 =	sld [smem:$0x3FFB];
	_ =	sdelay $0x3  }
0xa: {  	_ =	strace s19  }
0xb: {  	s3 =	sld [smem:$0x3FFC];
	_ =	sdelay $0x3  }
0xc: {  	_ =	strace s3  }
0xd: {  	s3 =	sld [smem:$0x3FFD];
	_ =	sdelay $0x3  }
0xe: {  	_ =	strace s3  }
0xf: {  	_ =	strace $0x8FFFFFFF  }
0x10: {  	s20 =	sld [smem:$0x3FDB];
	_ =	sdelay $0x1  }
0x11: {  	s4 =	simm.s32 $_scs_section_size  }
0x12: {  	s5 =	simm.s32 $_size__tile_overlayer_lowered;
	s6 =	simm.s32 $_tile_overlayer_lowered  }
0x13: {  	s23 =	simm.s32 $0x1BFF;
	s22 =	sshll.u32 s6, $0x1;
	s3 =	sadd.s32 s4, s20  }
0x14: {  	s7 =	simm.s32 $0x0;
	s21 =	sshll.u32 s5, $0x1;
	s5 =	sadd.s32 s22, s3  }
0x15: {  	[timem:s7], [sflag:s23] =	dma.local [hbm:s5], s21  }
0x16: {  	_ =	swait.ge [sflag:s23], s21  }
0x17: {  	s4 =	ssub.s32 $0x0, s21;
	[sflag:s23] =	ssyncset.done $0x0  }
0x18: {  	[sflag:s23] =	ssyncadd.s32 s4;
	_ =	sdelay $0x1  }
0x19: {  	s24 =	simm.s32 $0x1B8B  }
0x1a: {  	_ =	swait.ge [sflag:s24], $0x1  }
0x1b: {  	[sflag:s24] =	ssyncset.done $0x0  }
0x1c: {  	s26 =	simm.s32 $0x1B8E;
	s25 =	sld [smem:$0x3FFE];
	[sflag:s24] =	ssyncadd.s32 $0xFFFFFFFF  }
0x1d: {  	s27 =	simm.s32 $execute0_lowered;
	[smem:$0x3FD2] =	sst s26  }
0x1e: {  	s5 =	sshll.u32 s27, $0x1;
	_ =	strace $0x80000046;
	[dreg:$0x1] =	wrdreg $0xFFFFFFFF  }
0x1f: {  	s28 =	simm.s32 $_size_execute0_lowered;
	s3 =	sadd.s32 s3, s5;
	[dreg:$0x0] =	wrdreg $0x0  }
0x20: {  	s5 =	sshll.u32 s28, $0x1;
	[dreg:$0x2] =	wrdreg s3  }
0x21: {  	[dreg:$0x3] =	wrdreg s5  }
0x22: {  	[dreg:$0x4] =	wrdreg $0xC0  }
0x23: {  	_ =	task [dreg:s7], $0x5FFFF  }
0x24: {  	[dreg:$0x1] =	wrdreg $0xFFFFFFFF  }
0x25: {  	[dreg:$0x0] =	wrdreg $0x60  }
0x26: {  	[dreg:$0x2] =	wrdreg s25  }
0x27: {  	[dreg:$0x3] =	wrdreg s2  }
0x28: {  	[dreg:$0x4] =	wrdreg $0x9  }
0x29: {  	_ =	task.clear_ibuf [dreg:s7], $0x5FFFF;
	_ =	strace $0x90000046  }
0x2a: {  	s29 =	simm.s32 $0x9;
	_ =	strace $0x80000048  }
0x2b: {  	_ =	swait.ge [sflag:s29], $0x1  }
0x2c: {  	[sflag:s29] =	ssyncadd.s32 $0xFFFFFFFF  }
0x2d: {  	_ =	strace $0x90000048  }
0x2e: {  	_ =	sfence  }
0x2f: {  	s30 =	sld [smem:$0x0];
	_ =	sdelay $0x2  }
0x30: {  	s31 =	sshll.u32 s1, $0xD;
	s1 =	sshrl.u32 s1, $0x2  }
0x31: {  	s3 =	sand.u32 $0x4000, s31;
	s1 =	sadd.s32 s1, s30  }
0x32: {  	s0 =	sor.u32 s3, s0;
	s1 =	sshll.u32 s1, $0x11  }
0x33: {  	s0 =	sor.u32 s1, s0  }
0x34: {  	s0 =	sadd.s32 $0x8F2B, s0  }
0x35: {  	[sflag:s0] =	ssyncadd.remote.s32 $0x1  }
0x36: {  	_ =	sfence.sel $0xFFFF  }
0x37: {  	[dreg:$0x0] =	wrdreg $0xFFFFFFFF;
	(pc) =	sbr.abs _section_cstart, $3  }
0x38: {  	[dreg:$0x1] =	wrdreg $0xFFFFFFFF  }
0x39: {  	_ =	task.clear_ibuf [dreg:s7], $0x2FFFF;
	_ =	strace $0x9FFFFFFF  }
0x3a: {  	(tm) =	ssettm $0x7FFFFFFF  }
0x3b: {  	_ =	shalt  }
tec
execute0_lowered:
.L_overlay_start_1:
0x0: {  	(tag) =	ssettag $0x1  }
0x1: {  	s0 =	rddreg [dreg:$0x0];
	s4 =	stileid.u32;
	_ =	strace $0x80000047  }
0x2: {  	s1 =	srdreg.scid;
	s6 =	simm.s32 $0x1;
	s26 =	simm.s32 $0x2  }
0x3: {  	s31 =	simm.s32 $0x0;
	s27 =	simm.s32 $0x0;
	s1 =	sshll.u32 s1, $0x9  }
0x4: {  	s30 =	simm.s32 $0x0;
	s18 =	sadd.s32 $0x300400, s0;
	s7 =	sadd.s32 $0x3C0400, s0  }
0x5: {  	s2 =	sshll.u32 s4, $0x4;
	s23 =	sadd.s32 $0x480400, s0;
	s24 =	sadd.s32 $0x540400, s0  }
0x6: {  	s17 =	sshll.u32 s4, $0x5;
	s25 =	sadd.s32 $0x600400, s0;
	s11 =	sadd.s32 $0x6C0400, s0  }
0x7: {  	[sflag:s6] =	ssyncpa.u1 $0x0;
	s12 =	sadd.s32 $0x780400, s0;
	s13 =	sadd.s32 $0x840400, s0  }
0x8: {  	s14 =	sadd.s32 $0x900400, s0;
	s15 =	sadd.s32 $0x9C0400, s0;
	[dreg:$0x3] =	wrdreg s18  }
0x9: {  	s3 =	sand.u32 $0x30, s2;
	s1 =	sor.u32 s17, s1;
	[dreg:$0x4] =	wrdreg s7  }
0xa: {  	[dreg:$0x5] =	wrdreg s23;
	s19 =	ssub.s32 $0x40, s3;
	s5 =	sand.u32 $0x380, s1  }
0xb: {  	[dreg:$0x6] =	wrdreg s24;
	s20 =	sand.u32 $0x30, s19;
	s21 =	ssub.s32 $0x800, s5  }
0xc: {  	s1 =	simm.s32 $0x1;
	p0 =	sne.s32 s20, $0x0;
	s4 =	sand.u32 $0x380, s21  }
0xd: {  	s1 =	simm.s32 @!p0 $0x0;
	p0 =	sne.s32 s4, $0x0;
	s4 =	simm.s32 $0x1  }
0xe: {  	s2 =	sshrl.u32 s19, $0x6;
	s22 =	sshrl.u32 s21, $0xA;
	s4 =	simm.s32 @!p0 $0x0  }
0xf: {  	[dreg:$0x7] =	wrdreg s25;
	s1 =	sadd.s32 s1, s2;
	s2 =	sadd.s32 s4, s22  }
0x10: {  	s17 =	sadd.s32 $0xA80400, s0;
	s18 =	sadd.s32 $0xB40400, s0;
	s1 =	smul.u32 s2, s1  }
.Ltmp0:
0x11: {  	[sflag:s26] =	ssyncpa.u1 $0x0;
	s24 =	simm.s32 $0x8;
	(pc) =	sbr.rel .LBB1_1-.Ltmp0, $4  }
0x12: {  	s25 =	simm.s32 $0xC00;
	s29 =	smov.u32 s3;
	s19 =	sadd.s32 $0xC00400, s0  }
0x13: {  	s28 =	smov.u32 s5;
	s20 =	sadd.s32 $0xCC0400, s0;
	s16 =	smul.u32 $0x18, s1  }
0x14: {  	s21 =	sadd.s32 $0xD80400, s0;
	p0 =	por $0x0, $0x0;
	s22 =	sadd.s32 $0xE40400, s0  }
0x15: {  	s0 =	simm.s32 $0x0;
	s1 =	simm.s32 $0x0;
	s23 =	sor.u32 $0x1, s16  }
.LBB1_9:
0x16: {  	s2 =	sadd.s32 $0x1, s27  }
0x17: {  	s0 =	sadd.s32 $0x400, s28;
	s4 =	smov.u32 s28;
	p2 =	sgt.s32 s2, $0x17  }
0x18: {  	s4 =	smov.u32 @p2 s0  }
0x19: {  	s8 =	smov.u32 s29;
	s0 =	sadd.s32 $0x40, s29;
	p3 =	sgt.s32 s4, $0x7FF  }
0x1a: {  	s8 =	smov.u32 @p3 s0  }
0x1b: {  	s2 =	simm.s32 @p2 $0x0;
	p2 =	sgt.s32 s8, $0x3F  }
0x1c: {  	p1 =	slt.u32 s30, $0x2;
	s8 =	smov.u32 @p2 s3;
	p2 =	sne.s32 s30, s23  }
.Ltmp1:
0x1d: {  	s7 =	simm.s32 @!p1 $0x2;
	(pc) =	sbr.rel @!p2 .LBB1_10-.Ltmp1, $4  }
0x1e: {  	s31 =	smov.u32 s27;
	s1 =	smov.u32 s29;
	_ =	swait.ge @!p1 [sflag:s7], $0x4000  }
0x1f: {  	p0 =	por !p0, !p0;
	[sflag:s7] =	ssyncset.done @!p1 $0x0;
	s27 =	smov.u32 s2  }
0x20: {  	s4 =	smov.u32 @p3 s5;
	s0 =	smov.u32 s28;
	[sflag:s7] =	ssyncadd.s32 @!p1 $0xFFFFC000  }
0x21: {  	s28 =	smov.u32 s4;
	s30 =	sadd.s32 $0x1, s30;
	s29 =	smov.u32 s8  }
.LBB1_1:
0x22: {  	p1 =	sge.u32 s30, s16  }
.Ltmp2:
0x23: {  	_ = 	snop;
	(pc) =	sbr.rel @p1 .LBB1_3-.Ltmp2, $1  }
0x24: {  	_ =	sdelay $0x3  }
0x25: {  	s4 =	sand.u32 $0x1FFFFFF, s27  }
0x26: {  	s2 =	smulhi.u32 $0xAAAAAAB, s4;
	_ =	sdelay $0x1  }
0x27: {  	s7 =	smul.u32 $0x18, s2  }
0x28: {  	s2 =	smul.u32 $0xC0000, s29  }
0x29: {  	s26 =	smul.u32 $0x180, s28;
	s9 =	rddreg [dreg:$0x3]  }
0x2a: {  	s8 =	sxor.u32 $0xFFFFFFFF, s30;
	s4 =	ssub.s32 s4, s7;
	s7 =	sadd.s32 s9, s2  }
0x2b: {  	s8 =	sshll.u32 s8, $0xE;
	s4 =	sshll.u32 s4, $0x4;
	s9 =	sadd.s32 s26, s7  }
0x2c: {  	s7 =	sand.u32 $0x4000, s8;
	s10 =	sadd.s32 s4, s9;
	s9 =	rddreg [dreg:$0x4]  }
0x2d: {  	[tilespmem:s7], [sflag:$0x1] =	stream.strided.gather [hbm4b:s10+s24], $0x400, s25, s24, $0x38;
	[tilespmem:$0x10100] =	vst v63  }
0x2e: {  	s8 =	sadd.s32 s2, s9  }
0x2f: {  	s8 =	sadd.s32 s26, s8  }
0x30: {  	s10 =	sor.u32 $0x400, s7;
	s9 =	rddreg [dreg:$0x5];
	s8 =	sadd.s32 s4, s8  }
0x31: {  	[tilespmem:s10], [sflag:$0x1] =	stream.strided.gather [hbm4b:s8+s24], $0x400, s25, s24, $0x38;
	[tilespmem:$0x10100] =	vst v63  }
0x32: {  	s8 =	sadd.s32 s2, s9  }
0x33: {  	s8 =	sadd.s32 s26, s8  }
0x34: {  	s10 =	sor.u32 $0x800, s7;
	s9 =	rddreg [dreg:$0x6];
	s8 =	sadd.s32 s4, s8  }
0x35: {  	[tilespmem:s10], [sflag:$0x1] =	stream.strided.gather [hbm4b:s8+s24], $0x400, s25, s24, $0x38;
	[tilespmem:$0x10100] =	vst v63  }
0x36: {  	s8 =	sadd.s32 s2, s9  }
0x37: {  	s8 =	sadd.s32 s26, s8  }
0x38: {  	s10 =	sor.u32 $0xC00, s7;
	s9 =	rddreg [dreg:$0x7];
	s8 =	sadd.s32 s4, s8  }
0x39: {  	[tilespmem:s10], [sflag:$0x1] =	stream.strided.gather [hbm4b:s8+s24], $0x400, s25, s24, $0x38;
	[tilespmem:$0x10100] =	vst v63  }
0x3a: {  	s8 =	sadd.s32 s2, s9  }
0x3b: {  	s8 =	sadd.s32 s26, s8  }
0x3c: {  	s10 =	sor.u32 $0x1000, s7;
	s9 =	sadd.s32 s2, s11;
	s8 =	sadd.s32 s4, s8  }
0x3d: {  	[tilespmem:s10], [sflag:$0x1] =	stream.strided.gather [hbm4b:s8+s24], $0x400, s25, s24, $0x38;
	[tilespmem:$0x10100] =	vst v63  }
0x3e: {  	s8 =	sadd.s32 s26, s9  }
0x3f: {  	s10 =	sor.u32 $0x1400, s7;
	s9 =	sadd.s32 s2, s12;
	s8 =	sadd.s32 s4, s8  }
0x40: {  	[tilespmem:s10], [sflag:$0x1] =	stream.strided.gather [hbm4b:s8+s24], $0x400, s25, s24, $0x38;
	[tilespmem:$0x10100] =	vst v63  }
0x41: {  	s8 =	sadd.s32 s26, s9  }
0x42: {  	s10 =	sor.u32 $0x1800, s7;
	s9 =	sadd.s32 s2, s13;
	s8 =	sadd.s32 s4, s8  }
0x43: {  	[tilespmem:s10], [sflag:$0x1] =	stream.strided.gather [hbm4b:s8+s24], $0x400, s25, s24, $0x38;
	[tilespmem:$0x10100] =	vst v63  }
0x44: {  	s8 =	sadd.s32 s26, s9  }
0x45: {  	s10 =	sor.u32 $0x1C00, s7;
	s9 =	sadd.s32 s2, s14;
	s8 =	sadd.s32 s4, s8  }
0x46: {  	[tilespmem:s10], [sflag:$0x1] =	stream.strided.gather [hbm4b:s8+s24], $0x400, s25, s24, $0x38;
	[tilespmem:$0x10100] =	vst v63  }
0x47: {  	s8 =	sadd.s32 s26, s9  }
0x48: {  	s10 =	sor.u32 $0x2000, s7;
	s9 =	sadd.s32 s2, s15;
	s8 =	sadd.s32 s4, s8  }
0x49: {  	[tilespmem:s10], [sflag:$0x1] =	stream.strided.gather [hbm4b:s8+s24], $0x400, s25, s24, $0x38;
	[tilespmem:$0x10100] =	vst v63  }
0x4a: {  	s8 =	sadd.s32 s26, s9  }
0x4b: {  	s10 =	sor.u32 $0x2400, s7;
	s9 =	sadd.s32 s2, s17;
	s8 =	sadd.s32 s4, s8  }
0x4c: {  	[tilespmem:s10], [sflag:$0x1] =	stream.strided.gather [hbm4b:s8+s24], $0x400, s25, s24, $0x38;
	[tilespmem:$0x10100] =	vst v63  }
0x4d: {  	s8 =	sadd.s32 s26, s9  }
0x4e: {  	s10 =	sor.u32 $0x2800, s7;
	s9 =	sadd.s32 s2, s18;
	s8 =	sadd.s32 s4, s8  }
0x4f: {  	[tilespmem:s10], [sflag:$0x1] =	stream.strided.gather [hbm4b:s8+s24], $0x400, s25, s24, $0x38;
	[tilespmem:$0x10100] =	vst v63  }
0x50: {  	s8 =	sadd.s32 s26, s9  }
0x51: {  	s10 =	sor.u32 $0x2C00, s7;
	s9 =	sadd.s32 s2, s19;
	s8 =	sadd.s32 s4, s8  }
0x52: {  	[tilespmem:s10], [sflag:$0x1] =	stream.strided.gather [hbm4b:s8+s24], $0x400, s25, s24, $0x38;
	[tilespmem:$0x10100] =	vst v63  }
0x53: {  	s8 =	sadd.s32 s26, s9  }
0x54: {  	s10 =	sor.u32 $0x3000, s7;
	s9 =	sadd.s32 s2, s20;
	s8 =	sadd.s32 s4, s8  }
0x55: {  	[tilespmem:s10], [sflag:$0x1] =	stream.strided.gather [hbm4b:s8+s24], $0x400, s25, s24, $0x38;
	[tilespmem:$0x10100] =	vst v63  }
0x56: {  	s8 =	sadd.s32 s26, s9  }
0x57: {  	s10 =	sor.u32 $0x3400, s7;
	s9 =	sadd.s32 s2, s21;
	s8 =	sadd.s32 s4, s8  }
0x58: {  	[tilespmem:s10], [sflag:$0x1] =	stream.strided.gather [hbm4b:s8+s24], $0x400, s25, s24, $0x38;
	[tilespmem:$0x10100] =	vst v63  }
0x59: {  	s2 =	sadd.s32 s2, s22;
	s8 =	sadd.s32 s26, s9  }
0x5a: {  	s2 =	sadd.s32 s26, s2;
	s10 =	sor.u32 $0x3800, s7;
	s8 =	sadd.s32 s4, s8  }
0x5b: {  	[tilespmem:s10], [sflag:$0x1] =	stream.strided.gather [hbm4b:s8+s24], $0x400, s25, s24, $0x38;
	[tilespmem:$0x10100] =	vst v63  }
0x5c: {  	s2 =	sadd.s32 s4, s2;
	s26 =	sor.u32 $0x3C00, s7  }
0x5d: {  	[tilespmem:s26], [sflag:$0x1] =	stream.strided.gather [hbm4b:s2+s24], $0x400, s25, s24, $0x38;
	[tilespmem:$0x10100] =	vst v63  }
.LBB1_3:
0x5e: {  	s2 =	sadd.s32 $0xFFFFFFFF, s30  }
0x5f: {  	p1 =	sge.u32 s2, s16  }
.Ltmp3:
0x60: {  	_ = 	snop;
	(pc) =	sbr.rel @p1 .LBB1_9-.Ltmp3, $1  }
0x61: {  	_ =	sdelay $0x3  }
0x62: {  	s2 =	simm.s32 $0x1;
	s4 =	sand.u32 $0x1, s30  }
0x63: {  	s2 =	simm.s32 @!p0 $0x0;
	s9 =	smul.u32 $0x10200, s4  }
0x64: {  	_ =	swait.ge [sflag:s6], $0x4000;
	s7 =	smul.u32 $0x10200, s2  }
0x65: {  	[sflag:s6] =	ssyncset.done $0x0;
	s4 =	sshll.u32 s2, $0xE  }
0x66: {  	[sflag:s6] =	ssyncadd.s32 $0xFFFFC000;
	s26 =	sshrl.u32 s9, $0x2;
	s10 =	sshrl.u32 s7, $0x2  }
0x67: {  	s2 =	sor.u32 $0x8000, s26;
	s26 =	simm.s32 $0x0;
	s8 =	sor.u32 $0x8000, s10  }
.LBB1_5:
0x68: {  	v0 =	vmov s4;
	_ =	sdelay $0x3  }
0x69: {  	s7 =	simm.s32 $0x0  }
0x6a: {  	v1 =	vld.idx.msk [tilespmem:v0+s7+$0x0 ss:$0x1], $0xff;
	_ =	sdelay $0x2  }
0x6b: {  	s9 =	simm.s32 $0x20;
	s7 =	smov.u32 s8  }
.LBB1_6:
0x6c: {  	s10 =	sshra.s32 s9, $0x2;
	p1 =	sne.s32 s9, $0xFE0;
	s9 =	sadd.s32 $0x20, s9  }
.Ltmp4:
0x6d: {  	[tilespmem:s7+$0x0 ss:$0x81] =	vst.msk $0xff, v1;
	v1 =	vld.idx.msk [tilespmem:v0+s10+$0x0 ss:$0x1], $0xff;
	(pc) =	sbr.rel @p1 .LBB1_6-.Ltmp4, $2  }
0x6e: {  	_ =	sdelay $0x2  }
0x6f: {  	s7 =	sadd.s32 $0x1, s7  }
0x70: {  	s26 =	sadd.s32 $0x1, s26  }
0x71: {  	p1 =	sne.s32 s26, $0x10  }
.Ltmp5:
0x72: {  	_ = 	snop;
	(pc) =	sbr.rel @p1 .LBB1_5-.Ltmp5, $2  }
0x73: {  	_ =	sdelay $0x2  }
0x74: {  	[tilespmem:s7+$0x0 ss:$0x81] =	vst.msk $0xff, v1;
	s4 =	sadd.s32 $0x400, s4;
	s8 =	sadd.s32 $0x408, s8  }
0x75: {  	s4 =	sshll.u32 s0, $0x3;
	s1 =	smul.u32 $0xC000, s1;
	s7 =	sand.u32 $0x78, s0  }
0x76: {  	s9 =	sand.u32 $0x700, s0;
	s8 =	rddreg [dreg:$0x1];
	s10 =	sshll.u32 s31, $0xB  }
.Ltmp6:
0x77: {  	s4 =	sand.u32 $0x400, s4;
	s1 =	sadd.s32 s8, s1;
	(pc) =	sbr.rel .LBB1_9-.Ltmp6, $4  }
0x78: {  	s26 =	sand.u32 $0x7, s0;
	s4 =	sor.u32 s7, s4;
	s1 =	sadd.s32 s9, s1  }
0x79: {  	s0 =	sshll.u32 s26, $0x12;
	s4 =	sshrl.u32 s4, $0x3;
	s1 =	sadd.s32 s10, s1  }
0x7a: {  	s31 =	simm.s32 $0x60000;
	s0 =	sor.u32 $0x400, s0;
	s1 =	sadd.s32 s4, s1  }
0x7b: {  	[hbm4b:s1+s0] =	stream.strided.scatter [tilespmem:s2], [sflag:$0x2], $0x4000, s31, s0, $0x20;
	[tilespmem:$0x10100] =	vst v63  }
.LBB1_10:
0x7c: {  	_ =	sfence.sel $0x180000  }
0x7d: {  	s0 =	simm.s32 $0x1;
	[bflag:$0x0] =	sbarrier.arrive $0xFFFF  }
0x7e: {  	s30 =	simm.s32 $0x2;
	[sflag:s0] =	ssyncpa.u1 $0x1  }
0x7f: {  	[sflag:s30] =	ssyncpa.u1 $0x1  }
0x80: {  	_ =	strace $0x90000047  }
0x81: {  	s31 =	stileid.u32;
	[bflag:$0x2] =	sbarrier.arrive $0xFFFF  }
0x82: {  	p0 =	sne.s32 s31, $0x0;
	s0 =	rddreg [dreg:$0x2]  }
0x83: {  	s0 =	sadd.s32 @!p0 $0x100000, s0  }
0x84: {  	[sflag:s0] =	ssyncadd.tile.s32 @!p0 $0x1;
	_ =	shalt  }
.Lfunc_end1:
_tile_overlayer_lowered:
.L_overlay_start_2:
0x85: {  	(tag) =	ssettag $0x2  }
0x86: {  	s0 =	rddreg [dreg:$0x0];
	s2 =	stileid.u32  }
0x87: {  	s1 =	rddreg [dreg:$0x1];
	p0 =	sne.s32 s2, $0x0  }
0x88: {  	s3 =	rddreg [dreg:$0x2];
	[bflag:$0x3] =	sbarrier.arrive $0xFFFF;
	s2 =	simm.s32 @!p0 $0x1C01  }
0x89: {  	[timem:s3], [sflag:s2] =	dma.local @!p0 [hbm:s0], s1  }
0x8a: {  	s0 =	simm.s32 @!p0 $0x1  }
0x8b: {  	_ =	swait.ge @!p0 [sflag:s0], s1  }
0x8c: {  	s1 =	ssub.s32 @!p0 $0x0, s1;
	[sflag:s0] =	ssyncset.done @!p0 $0x0  }
0x8d: {  	[sflag:s0] =	ssyncadd.s32 @!p0 s1  }
0x8e: {  	[bflag:$0x3] =	sbarrier.arrive $0xFFFF  }
0x8f: {  	_ =	shalt  }

</sc_bundles>
